<compile_context>
chip_gen: v7x
topology: tpu7x:2x2x1
jax: 0.10.2.dev20260603
libtpu: 0.0.44.dev20260713+nightly
codegen_flags: <defaults>
</compile_context>

<pallas_src>
import functools

import jax
import jax.numpy as jnp
from jax import lax
from jax.experimental import pallas as pl
from jax.experimental.pallas import tpu as pltpu
from jax.experimental.pallas import tpu_sc as plsc

D = 128
L_SEQ = 200
C = 64
NBUF = 4


def _make_sc_kernel(n_tok):
  info = plsc.get_sparse_core_info()
  nc, ns = info.num_cores, info.num_subcores
  nw = nc * ns
  per_w = n_tok // nw
  n_chunks = per_w // C
  assert per_w * nw == n_tok and n_chunks * C == per_w
  assert n_chunks % NBUF == 0 and n_chunks >= 2 * NBUF

  mesh = plsc.VectorSubcoreMesh(core_axis_name="c", subcore_axis_name="s")

  @functools.partial(
      pl.kernel,
      mesh=mesh,
      compiler_params=pltpu.CompilerParams(needs_layout_passes=False),
      out_type=jax.ShapeDtypeStruct((n_tok, D), jnp.float32),
      scratch_types=[
          pltpu.VMEM((L_SEQ, D), jnp.float32),
          pltpu.VMEM((3, D), jnp.float32),
          pltpu.VMEM((per_w,), jnp.int32),
          pltpu.VMEM((per_w,), jnp.int32),
          *([pltpu.VMEM((C, D), jnp.float32)] * NBUF),
          *([pltpu.SemaphoreType.DMA] * NBUF),
          *([pltpu.SemaphoreType.DMA] * NBUF),
      ],
  )
  def sc_embed(seqs_hbm, segl_hbm, tbl_hbm, segtab_hbm, pe_hbm, out_hbm,
               pe_v, segtab_v, idx_v, segl_v, *bufs_and_sems):
    rows = bufs_and_sems[:NBUF]
    gsem = bufs_and_sems[NBUF:2 * NBUF]
    osem = bufs_and_sems[2 * NBUF:3 * NBUF]

    wid = lax.axis_index("s") * nc + lax.axis_index("c")
    wbase = wid * per_w
    pltpu.sync_copy(seqs_hbm.at[pl.ds(wbase, per_w)], idx_v)
    pltpu.sync_copy(segl_hbm.at[pl.ds(wbase, per_w)], segl_v)
    pltpu.sync_copy(pe_hbm, pe_v)
    pltpu.sync_copy(segtab_hbm, segtab_v)

    def g_copy(t, b):
      return pltpu.make_async_copy(
          tbl_hbm.at[idx_v.at[pl.ds(t * C, C)]], rows[b], gsem[b])

    def o_copy(t, b):
      return pltpu.make_async_copy(
          rows[b], out_hbm.at[pl.ds(wbase + t * C, C)], osem[b])

    g_copy(0, 0).start()
    g_copy(1, 1).start()

    def compute(t, b):
      rbase = wbase + t * C
      rref = rows[b]

      def group_body(grp, carry):
        r0 = grp * 16
        sv16 = segl_v[pl.ds(t * C + r0, 16)]
        for k in range(16):
          r = r0 + k
          l = lax.rem(rbase + r, L_SEQ)
          s = sv16[k]
          for c in range(D // 16):
            sl = pl.ds(c * 16, 16)
            rref[r, sl] = (rref[r, sl] + pe_v[l, sl]) + segtab_v[s, sl]
        return carry

      lax.fori_loop(0, C // 16, group_body, 0)

    def outer(T, carry):
      for j in range(NBUF):
        t = T + j
        bn = (j + 2) % NBUF

        @pl.when(t + 2 < n_chunks)
        def _prefetch():
          @pl.when(t >= 2)
          def _drain():
            o_copy(t - 2, bn).wait()
          g_copy(t + 2, bn).start()

        g_copy(t, j).wait()
        o_copy(t, j).start()
      return carry

    lax.fori_loop(0, n_chunks // NBUF, lambda i, c: outer(i * NBUF, c), 0)
    for j in range(NBUF):
      o_copy(n_chunks - NBUF + j, j).wait()

  return sc_embed


@jax.jit
def kernel(seqs, seg_label, token_table, seg_table, pe):
  b, l = seqs.shape
  n_tok = b * l
  seqs_f = seqs.reshape(n_tok).astype(jnp.int32)
  segl_f = seg_label.reshape(n_tok).astype(jnp.int32)
  pe2 = pe.reshape(pe.shape[1], pe.shape[2])[:l]
  out = _make_sc_kernel(n_tok)(seqs_f, segl_f, token_table, seg_table, pe2)
  return out.reshape(b, l, D)

# --- scband reference (transcript-rebuilt; emitter-appended) ---
"""Pipeline reference for scband-bert-embedding-43112881717255 (READ-ONLY COPY).

The authoritative reference and input builder live on the scoring server;
editing this copy changes nothing except your own understanding.
"""

import jax, jax.numpy as jnp
import numpy as np
import math

VOCAB = 100000
D_MODEL = 128
MAX_LEN = 512
BATCH = 1024
SEQ = 200

def _make_pe(max_len, d_model):
    pe = np.zeros((max_len, d_model), dtype=np.float32)
    position = np.arange(0, max_len, dtype=np.float32)[:, None]
    div_term = np.exp(np.arange(0, d_model, 2, dtype=np.float32) * (-math.log(10000.0) / d_model))
    pe[:, 0::2] = np.sin(position * div_term)
    pe[:, 1::2] = np.cos(position * div_term)
    return jnp.asarray(pe[None, :, :])  # [1, max_len, d_model]

def setup_inputs(seed: int = 0) -> dict:
    key = jax.random.key(seed)
    k1, k2, k3, k4 = jax.random.split(key, 4)
    seqs = jax.random.randint(k1, (BATCH, SEQ), 0, VOCAB, dtype=jnp.int64 if jax.config.jax_enable_x64 else jnp.int32)
    seg_label = jax.random.randint(k2, (BATCH, SEQ), 0, 3, dtype=jnp.int64 if jax.config.jax_enable_x64 else jnp.int32)
    token_table = jax.random.normal(k3, (VOCAB, D_MODEL), dtype=jnp.float32) * 0.02
    token_table = token_table.at[0].set(0.0)  # padding_idx=0
    seg_table = jax.random.normal(k4, (3, D_MODEL), dtype=jnp.float32) * 0.02
    seg_table = seg_table.at[0].set(0.0)  # padding_idx=0
    pe = _make_pe(MAX_LEN, D_MODEL)
    return {"seqs": seqs, "seg_label": seg_label, "token_table": token_table, "seg_table": seg_table, "pe": pe}

def reference(seqs, seg_label, token_table, seg_table, pe):
    L = seqs.shape[1]
    tok = jnp.take(token_table, seqs, axis=0)          # [B, L, D]
    pos = pe[:, :L]                                     # [1, L, D]
    seg = jnp.take(seg_table, seg_label, axis=0)        # [B, L, D]
    x = tok + pos + seg
    # dropout p=0.0 -> identity
    return x

if __name__ == "__main__":
    import jax
    _d = setup_inputs()
    print(jax.jit(kernel)(*tuple(_d.values())))

</pallas_src>

<mosaic_0001>
#map = affine_map<(d0, d1) -> (0)>
#map1 = affine_map<(d0, d1) -> (0, 0)>
module attributes {stable_mosaic.version = 14 : i64} {
  func.func @sc_embed(%arg0: i32, %arg1: i32, %arg2: memref<204800xi32, #tpu.memory_space<hbm>>, %arg3: memref<204800xi32, #tpu.memory_space<hbm>>, %arg4: memref<100000x128xf32, #tpu.memory_space<hbm>>, %arg5: memref<3x128xf32, #tpu.memory_space<hbm>>, %arg6: memref<200x128xf32, #tpu.memory_space<hbm>>, %arg7: memref<204800x128xf32, #tpu.memory_space<hbm>>, %arg8: memref<200x128xf32, #tpu.memory_space<vmem>>, %arg9: memref<3x128xf32, #tpu.memory_space<vmem>>, %arg10: memref<6400xi32, #tpu.memory_space<vmem>>, %arg11: memref<6400xi32, #tpu.memory_space<vmem>>, %arg12: memref<64x128xf32, #tpu.memory_space<vmem>>, %arg13: memref<64x128xf32, #tpu.memory_space<vmem>>, %arg14: memref<64x128xf32, #tpu.memory_space<vmem>>, %arg15: memref<64x128xf32, #tpu.memory_space<vmem>>, %arg16: memref<!tpu.dma_semaphore, #tpu.memory_space<semaphore_mem>>, %arg17: memref<!tpu.dma_semaphore, #tpu.memory_space<semaphore_mem>>, %arg18: memref<!tpu.dma_semaphore, #tpu.memory_space<semaphore_mem>>, %arg19: memref<!tpu.dma_semaphore, #tpu.memory_space<semaphore_mem>>, %arg20: memref<!tpu.dma_semaphore, #tpu.memory_space<semaphore_mem>>, %arg21: memref<!tpu.dma_semaphore, #tpu.memory_space<semaphore_mem>>, %arg22: memref<!tpu.dma_semaphore, #tpu.memory_space<semaphore_mem>>, %arg23: memref<!tpu.dma_semaphore, #tpu.memory_space<semaphore_mem>>) attributes {dimension_semantics = [#tpu.dimension_semantics<core_parallel>, #tpu.dimension_semantics<subcore_parallel>], iteration_bounds = array<i64: 2, 16>, scalar_prefetch = 0 : i64, scratch_operands = 16 : i64, tpu.core_type = #tpu.core_type<sc_vector_subcore>, window_params = [{transform_indices = #map}, {transform_indices = #map}, {transform_indices = #map1}, {transform_indices = #map1}, {transform_indices = #map1}, {transform_indices = #map1}]} {
    %mul3A = arith.constant 2 : i32
    %mul3A_0 = arith.muli %arg1, %mul3A : i32
    %add3A = arith.addi %mul3A_0, %arg0 : i32
    %mul3A_1 = arith.constant 6400 : i32
    %mul3A_2 = arith.muli %add3A, %mul3A_1 : i32
    "tpu.region"() ({
      %run_scoped3A = tpu.sem_alloc : memref<!tpu.dma_semaphore, #tpu.memory_space<semaphore_mem>>
      %dma_start3A_40 = tpu.memref_slice %arg2[%mul3A_2] : memref<204800xi32, #tpu.memory_space<hbm>> -> memref<6400xi32, #tpu.memory_space<hbm>>
      %dma_start3A_41 = tpu.memref_slice %arg2[%mul3A_2] : memref<204800xi32, #tpu.memory_space<hbm>> -> memref<6400xi32, #tpu.memory_space<hbm>>
      tpu.enqueue_dma source(%dma_start3A_41 : memref<6400xi32, #tpu.memory_space<hbm>>) target(%arg10 : memref<6400xi32, #tpu.memory_space<vmem>>) target_semaphore(%run_scoped3A : memref<!tpu.dma_semaphore, #tpu.memory_space<semaphore_mem>>)
      %dma_wait3A_42 = tpu.memref_slice %arg2[%mul3A_2] : memref<204800xi32, #tpu.memory_space<hbm>> -> memref<6400xi32, #tpu.memory_space<hbm>>
      %dma_wait3A_43 = tpu.memref_slice %arg2[%mul3A_2] : memref<204800xi32, #tpu.memory_space<hbm>> -> memref<6400xi32, #tpu.memory_space<hbm>>
      tpu.wait_dma2 semaphore(%run_scoped3A : memref<!tpu.dma_semaphore, #tpu.memory_space<semaphore_mem>>) src(%dma_wait3A_43 : memref<6400xi32, #tpu.memory_space<hbm>>) dst(%arg10 : memref<6400xi32, #tpu.memory_space<vmem>>)
      tpu.yield
    }) : () -> ()
    "tpu.region"() ({
      %run_scoped3A = tpu.sem_alloc : memref<!tpu.dma_semaphore, #tpu.memory_space<semaphore_mem>>
      %dma_start3A_40 = tpu.memref_slice %arg3[%mul3A_2] : memref<204800xi32, #tpu.memory_space<hbm>> -> memref<6400xi32, #tpu.memory_space<hbm>>
      %dma_start3A_41 = tpu.memref_slice %arg3[%mul3A_2] : memref<204800xi32, #tpu.memory_space<hbm>> -> memref<6400xi32, #tpu.memory_space<hbm>>
      tpu.enqueue_dma source(%dma_start3A_41 : memref<6400xi32, #tpu.memory_space<hbm>>) target(%arg11 : memref<6400xi32, #tpu.memory_space<vmem>>) target_semaphore(%run_scoped3A : memref<!tpu.dma_semaphore, #tpu.memory_space<semaphore_mem>>)
      %dma_wait3A_42 = tpu.memref_slice %arg3[%mul3A_2] : memref<204800xi32, #tpu.memory_space<hbm>> -> memref<6400xi32, #tpu.memory_space<hbm>>
      %dma_wait3A_43 = tpu.memref_slice %arg3[%mul3A_2] : memref<204800xi32, #tpu.memory_space<hbm>> -> memref<6400xi32, #tpu.memory_space<hbm>>
      tpu.wait_dma2 semaphore(%run_scoped3A : memref<!tpu.dma_semaphore, #tpu.memory_space<semaphore_mem>>) src(%dma_wait3A_43 : memref<6400xi32, #tpu.memory_space<hbm>>) dst(%arg11 : memref<6400xi32, #tpu.memory_space<vmem>>)
      tpu.yield
    }) : () -> ()
    "tpu.region"() ({
      %run_scoped3A = tpu.sem_alloc : memref<!tpu.dma_semaphore, #tpu.memory_space<semaphore_mem>>
      tpu.enqueue_dma source(%arg6 : memref<200x128xf32, #tpu.memory_space<hbm>>) target(%arg8 : memref<200x128xf32, #tpu.memory_space<vmem>>) target_semaphore(%run_scoped3A : memref<!tpu.dma_semaphore, #tpu.memory_space<semaphore_mem>>)
      tpu.wait_dma2 semaphore(%run_scoped3A : memref<!tpu.dma_semaphore, #tpu.memory_space<semaphore_mem>>) src(%arg6 : memref<200x128xf32, #tpu.memory_space<hbm>>) dst(%arg8 : memref<200x128xf32, #tpu.memory_space<vmem>>)
      tpu.yield
    }) : () -> ()
    "tpu.region"() ({
      %run_scoped3A = tpu.sem_alloc : memref<!tpu.dma_semaphore, #tpu.memory_space<semaphore_mem>>
      tpu.enqueue_dma source(%arg5 : memref<3x128xf32, #tpu.memory_space<hbm>>) target(%arg9 : memref<3x128xf32, #tpu.memory_space<vmem>>) target_semaphore(%run_scoped3A : memref<!tpu.dma_semaphore, #tpu.memory_space<semaphore_mem>>)
      tpu.wait_dma2 semaphore(%run_scoped3A : memref<!tpu.dma_semaphore, #tpu.memory_space<semaphore_mem>>) src(%arg5 : memref<3x128xf32, #tpu.memory_space<hbm>>) dst(%arg9 : memref<3x128xf32, #tpu.memory_space<vmem>>)
      tpu.yield
    }) : () -> ()
    %dma_start3A = arith.constant 0 : i32
    %dma_start3A_3 = tpu.memref_slice %arg10[%dma_start3A] : memref<6400xi32, #tpu.memory_space<vmem>> -> memref<64xi32, #tpu.memory_space<vmem>>
    %dma_start3A_4 = arith.constant 0 : i32
    %dma_start3A_5 = arith.constant 0 : i32
    %dma_start3A_6 = tpu.memref_slice %arg4[%dma_start3A_4, %dma_start3A_5] : memref<100000x128xf32, #tpu.memory_space<hbm>> -> memref<100000x128xf32, #tpu.memory_space<hbm>>
    tpu.enqueue_indirect_dma source(%dma_start3A_6 : memref<100000x128xf32, #tpu.memory_space<hbm>>) target(%arg12 : memref<64x128xf32, #tpu.memory_space<vmem>>) offsets(%dma_start3A_3 : memref<64xi32, #tpu.memory_space<vmem>>) semaphore(%arg16 : memref<!tpu.dma_semaphore, #tpu.memory_space<semaphore_mem>>)
    %dma_start3A_7 = arith.constant 64 : i32
    %dma_start3A_8 = tpu.memref_slice %arg10[%dma_start3A_7] : memref<6400xi32, #tpu.memory_space<vmem>> -> memref<64xi32, #tpu.memory_space<vmem>>
    %dma_start3A_9 = arith.constant 0 : i32
    %dma_start3A_10 = arith.constant 0 : i32
    %dma_start3A_11 = tpu.memref_slice %arg4[%dma_start3A_9, %dma_start3A_10] : memref<100000x128xf32, #tpu.memory_space<hbm>> -> memref<100000x128xf32, #tpu.memory_space<hbm>>
    tpu.enqueue_indirect_dma source(%dma_start3A_11 : memref<100000x128xf32, #tpu.memory_space<hbm>>) target(%arg13 : memref<64x128xf32, #tpu.memory_space<vmem>>) offsets(%dma_start3A_8 : memref<64xi32, #tpu.memory_space<vmem>>) semaphore(%arg17 : memref<!tpu.dma_semaphore, #tpu.memory_space<semaphore_mem>>)
    %scan3A = arith.constant 0 : i32
    %scan3A_12 = arith.constant 0 : i32
    %scan3A_13 = arith.constant 25 : i32
    %scan3A_14 = arith.addi %scan3A_12, %scan3A_13 : i32
    %scan3A_15 = arith.constant 1 : i32
    scf.for %scan3A_40 = %scan3A_12 to %scan3A_14 step %scan3A_15  : i32 {
      %mul3A_41 = arith.constant 4 : i32
      %mul3A_42 = arith.muli %scan3A_40, %mul3A_41 : i32
      %add3A_43 = arith.constant 0 : i32
      %add3A_44 = arith.addi %mul3A_42, %add3A_43 : i32
      %add3A_45 = arith.constant 2 : i32
      %add3A_46 = arith.addi %add3A_44, %add3A_45 : i32
      %lt3A = arith.constant 100 : i32
      %lt3A_47 = arith.cmpi slt, %add3A_46, %lt3A : i32
      %convert_element_type3A = arith.extui %lt3A_47 : i1 to i32
      %cond3A = arith.constant 0 : i32
      %cond3A_48 = arith.cmpi ne, %convert_element_type3A, %cond3A : i32
      scf.if %cond3A_48 {
        %ge3A = arith.constant 2 : i32
        %ge3A_128 = arith.cmpi sge, %add3A_44, %ge3A : i32
        %convert_element_type3A_129 = arith.extui %ge3A_128 : i1 to i32
        %cond3A_130 = arith.constant 0 : i32
        %cond3A_131 = arith.cmpi ne, %convert_element_type3A_129, %cond3A_130 : i32
        scf.if %cond3A_131 {
          %sub3A = arith.constant 2 : i32
          %sub3A_140 = arith.subi %add3A_44, %sub3A : i32
          %mul3A_141 = arith.constant 64 : i32
          %mul3A_142 = arith.muli %sub3A_140, %mul3A_141 : i32
          %add3A_143 = arith.addi %mul3A_2, %mul3A_142 : i32
          %dma_wait3A_144 = arith.constant 0 : i32
          %dma_wait3A_145 = tpu.memref_slice %arg7[%add3A_143, %dma_wait3A_144] : memref<204800x128xf32, #tpu.memory_space<hbm>> -> memref<64x128xf32, #tpu.memory_space<hbm>>
          %dma_wait3A_146 = arith.constant 0 : i32
          %dma_wait3A_147 = tpu.memref_slice %arg7[%add3A_143, %dma_wait3A_146] : memref<204800x128xf32, #tpu.memory_space<hbm>> -> memref<64x128xf32, #tpu.memory_space<hbm>>
          tpu.wait_dma2 semaphore(%arg22 : memref<!tpu.dma_semaphore, #tpu.memory_space<semaphore_mem>>) src(%arg14 : memref<64x128xf32, #tpu.memory_space<vmem>>) dst(%dma_wait3A_147 : memref<64x128xf32, #tpu.memory_space<hbm>>)
        } else {
        }
        %add3A_132 = arith.constant 2 : i32
        %add3A_133 = arith.addi %add3A_44, %add3A_132 : i32
        %mul3A_134 = arith.constant 64 : i32
        %mul3A_135 = arith.muli %add3A_133, %mul3A_134 : i32
        %dma_start3A_136 = tpu.memref_slice %arg10[%mul3A_135] : memref<6400xi32, #tpu.memory_space<vmem>> -> memref<64xi32, #tpu.memory_space<vmem>>
        %dma_start3A_137 = arith.constant 0 : i32
        %dma_start3A_138 = arith.constant 0 : i32
        %dma_start3A_139 = tpu.memref_slice %arg4[%dma_start3A_137, %dma_start3A_138] : memref<100000x128xf32, #tpu.memory_space<hbm>> -> memref<100000x128xf32, #tpu.memory_space<hbm>>
        tpu.enqueue_indirect_dma source(%dma_start3A_139 : memref<100000x128xf32, #tpu.memory_space<hbm>>) target(%arg14 : memref<64x128xf32, #tpu.memory_space<vmem>>) offsets(%dma_start3A_136 : memref<64xi32, #tpu.memory_space<vmem>>) semaphore(%arg18 : memref<!tpu.dma_semaphore, #tpu.memory_space<semaphore_mem>>)
      } else {
      }
      %mul3A_49 = arith.constant 64 : i32
      %mul3A_50 = arith.muli %add3A_44, %mul3A_49 : i32
      %dma_wait3A_51 = tpu.memref_slice %arg10[%mul3A_50] : memref<6400xi32, #tpu.memory_space<vmem>> -> memref<64xi32, #tpu.memory_space<vmem>>
      %dma_wait3A_52 = arith.constant 0 : i32
      %dma_wait3A_53 = arith.constant 0 : i32
      %dma_wait3A_54 = tpu.memref_slice %arg4[%dma_wait3A_52, %dma_wait3A_53] : memref<100000x128xf32, #tpu.memory_space<hbm>> -> memref<100000x128xf32, #tpu.memory_space<hbm>>
      tpu.wait_indirect_dma semaphore(%arg16 : memref<!tpu.dma_semaphore, #tpu.memory_space<semaphore_mem>>) src(%dma_wait3A_54 : memref<100000x128xf32, #tpu.memory_space<hbm>>) dst(%arg12 : memref<64x128xf32, #tpu.memory_space<vmem>>)
      %mul3A_55 = arith.constant 64 : i32
      %mul3A_56 = arith.muli %add3A_44, %mul3A_55 : i32
      %add3A_57 = arith.addi %mul3A_2, %mul3A_56 : i32
      %dma_start3A_58 = arith.constant 0 : i32
      %dma_start3A_59 = tpu.memref_slice %arg7[%add3A_57, %dma_start3A_58] : memref<204800x128xf32, #tpu.memory_space<hbm>> -> memref<64x128xf32, #tpu.memory_space<hbm>>
      %dma_start3A_60 = arith.constant 0 : i32
      %dma_start3A_61 = tpu.memref_slice %arg7[%add3A_57, %dma_start3A_60] : memref<204800x128xf32, #tpu.memory_space<hbm>> -> memref<64x128xf32, #tpu.memory_space<hbm>>
      tpu.enqueue_dma source(%arg12 : memref<64x128xf32, #tpu.memory_space<vmem>>) target(%dma_start3A_61 : memref<64x128xf32, #tpu.memory_space<hbm>>) target_semaphore(%arg20 : memref<!tpu.dma_semaphore, #tpu.memory_space<semaphore_mem>>)
      %add3A_62 = arith.constant 1 : i32
      %add3A_63 = arith.addi %mul3A_42, %add3A_62 : i32
      %add3A_64 = arith.constant 2 : i32
      %add3A_65 = arith.addi %add3A_63, %add3A_64 : i32
      %lt3A_66 = arith.constant 100 : i32
      %lt3A_67 = arith.cmpi slt, %add3A_65, %lt3A_66 : i32
      %convert_element_type3A_68 = arith.extui %lt3A_67 : i1 to i32
      %cond3A_69 = arith.constant 0 : i32
      %cond3A_70 = arith.cmpi ne, %convert_element_type3A_68, %cond3A_69 : i32
      scf.if %cond3A_70 {
        %ge3A = arith.constant 2 : i32
        %ge3A_128 = arith.cmpi sge, %add3A_63, %ge3A : i32
        %convert_element_type3A_129 = arith.extui %ge3A_128 : i1 to i32
        %cond3A_130 = arith.constant 0 : i32
        %cond3A_131 = arith.cmpi ne, %convert_element_type3A_129, %cond3A_130 : i32
        scf.if %cond3A_131 {
          %sub3A = arith.constant 2 : i32
          %sub3A_140 = arith.subi %add3A_63, %sub3A : i32
          %mul3A_141 = arith.constant 64 : i32
          %mul3A_142 = arith.muli %sub3A_140, %mul3A_141 : i32
          %add3A_143 = arith.addi %mul3A_2, %mul3A_142 : i32
          %dma_wait3A_144 = arith.constant 0 : i32
          %dma_wait3A_145 = tpu.memref_slice %arg7[%add3A_143, %dma_wait3A_144] : memref<204800x128xf32, #tpu.memory_space<hbm>> -> memref<64x128xf32, #tpu.memory_space<hbm>>
          %dma_wait3A_146 = arith.constant 0 : i32
          %dma_wait3A_147 = tpu.memref_slice %arg7[%add3A_143, %dma_wait3A_146] : memref<204800x128xf32, #tpu.memory_space<hbm>> -> memref<64x128xf32, #tpu.memory_space<hbm>>
          tpu.wait_dma2 semaphore(%arg23 : memref<!tpu.dma_semaphore, #tpu.memory_space<semaphore_mem>>) src(%arg15 : memref<64x128xf32, #tpu.memory_space<vmem>>) dst(%dma_wait3A_147 : memref<64x128xf32, #tpu.memory_space<hbm>>)
        } else {
        }
        %add3A_132 = arith.constant 2 : i32
        %add3A_133 = arith.addi %add3A_63, %add3A_132 : i32
        %mul3A_134 = arith.constant 64 : i32
        %mul3A_135 = arith.muli %add3A_133, %mul3A_134 : i32
        %dma_start3A_136 = tpu.memref_slice %arg10[%mul3A_135] : memref<6400xi32, #tpu.memory_space<vmem>> -> memref<64xi32, #tpu.memory_space<vmem>>
        %dma_start3A_137 = arith.constant 0 : i32
        %dma_start3A_138 = arith.constant 0 : i32
        %dma_start3A_139 = tpu.memref_slice %arg4[%dma_start3A_137, %dma_start3A_138] : memref<100000x128xf32, #tpu.memory_space<hbm>> -> memref<100000x128xf32, #tpu.memory_space<hbm>>
        tpu.enqueue_indirect_dma source(%dma_start3A_139 : memref<100000x128xf32, #tpu.memory_space<hbm>>) target(%arg15 : memref<64x128xf32, #tpu.memory_space<vmem>>) offsets(%dma_start3A_136 : memref<64xi32, #tpu.memory_space<vmem>>) semaphore(%arg19 : memref<!tpu.dma_semaphore, #tpu.memory_space<semaphore_mem>>)
      } else {
      }
      %mul3A_71 = arith.constant 64 : i32
      %mul3A_72 = arith.muli %add3A_63, %mul3A_71 : i32
      %dma_wait3A_73 = tpu.memref_slice %arg10[%mul3A_72] : memref<6400xi32, #tpu.memory_space<vmem>> -> memref<64xi32, #tpu.memory_space<vmem>>
      %dma_wait3A_74 = arith.constant 0 : i32
      %dma_wait3A_75 = arith.constant 0 : i32
      %dma_wait3A_76 = tpu.memref_slice %arg4[%dma_wait3A_74, %dma_wait3A_75] : memref<100000x128xf32, #tpu.memory_space<hbm>> -> memref<100000x128xf32, #tpu.memory_space<hbm>>
      tpu.wait_indirect_dma semaphore(%arg17 : memref<!tpu.dma_semaphore, #tpu.memory_space<semaphore_mem>>) src(%dma_wait3A_76 : memref<100000x128xf32, #tpu.memory_space<hbm>>) dst(%arg13 : memref<64x128xf32, #tpu.memory_space<vmem>>)
      %mul3A_77 = arith.constant 64 : i32
      %mul3A_78 = arith.muli %add3A_63, %mul3A_77 : i32
      %add3A_79 = arith.addi %mul3A_2, %mul3A_78 : i32
      %dma_start3A_80 = arith.constant 0 : i32
      %dma_start3A_81 = tpu.memref_slice %arg7[%add3A_79, %dma_start3A_80] : memref<204800x128xf32, #tpu.memory_space<hbm>> -> memref<64x128xf32, #tpu.memory_space<hbm>>
      %dma_start3A_82 = arith.constant 0 : i32
      %dma_start3A_83 = tpu.memref_slice %arg7[%add3A_79, %dma_start3A_82] : memref<204800x128xf32, #tpu.memory_space<hbm>> -> memref<64x128xf32, #tpu.memory_space<hbm>>
      tpu.enqueue_dma source(%arg13 : memref<64x128xf32, #tpu.memory_space<vmem>>) target(%dma_start3A_83 : memref<64x128xf32, #tpu.memory_space<hbm>>) target_semaphore(%arg21 : memref<!tpu.dma_semaphore, #tpu.memory_space<semaphore_mem>>)
      %add3A_84 = arith.constant 2 : i32
      %add3A_85 = arith.addi %mul3A_42, %add3A_84 : i32
      %add3A_86 = arith.constant 2 : i32
      %add3A_87 = arith.addi %add3A_85, %add3A_86 : i32
      %lt3A_88 = arith.constant 100 : i32
      %lt3A_89 = arith.cmpi slt, %add3A_87, %lt3A_88 : i32
      %convert_element_type3A_90 = arith.extui %lt3A_89 : i1 to i32
      %cond3A_91 = arith.constant 0 : i32
      %cond3A_92 = arith.cmpi ne, %convert_element_type3A_90, %cond3A_91 : i32
      scf.if %cond3A_92 {
        %ge3A = arith.constant 2 : i32
        %ge3A_128 = arith.cmpi sge, %add3A_85, %ge3A : i32
        %convert_element_type3A_129 = arith.extui %ge3A_128 : i1 to i32
        %cond3A_130 = arith.constant 0 : i32
        %cond3A_131 = arith.cmpi ne, %convert_element_type3A_129, %cond3A_130 : i32
        scf.if %cond3A_131 {
          %sub3A = arith.constant 2 : i32
          %sub3A_140 = arith.subi %add3A_85, %sub3A : i32
          %mul3A_141 = arith.constant 64 : i32
          %mul3A_142 = arith.muli %sub3A_140, %mul3A_141 : i32
          %add3A_143 = arith.addi %mul3A_2, %mul3A_142 : i32
          %dma_wait3A_144 = arith.constant 0 : i32
          %dma_wait3A_145 = tpu.memref_slice %arg7[%add3A_143, %dma_wait3A_144] : memref<204800x128xf32, #tpu.memory_space<hbm>> -> memref<64x128xf32, #tpu.memory_space<hbm>>
          %dma_wait3A_146 = arith.constant 0 : i32
          %dma_wait3A_147 = tpu.memref_slice %arg7[%add3A_143, %dma_wait3A_146] : memref<204800x128xf32, #tpu.memory_space<hbm>> -> memref<64x128xf32, #tpu.memory_space<hbm>>
          tpu.wait_dma2 semaphore(%arg20 : memref<!tpu.dma_semaphore, #tpu.memory_space<semaphore_mem>>) src(%arg12 : memref<64x128xf32, #tpu.memory_space<vmem>>) dst(%dma_wait3A_147 : memref<64x128xf32, #tpu.memory_space<hbm>>)
        } else {
        }
        %add3A_132 = arith.constant 2 : i32
        %add3A_133 = arith.addi %add3A_85, %add3A_132 : i32
        %mul3A_134 = arith.constant 64 : i32
        %mul3A_135 = arith.muli %add3A_133, %mul3A_134 : i32
        %dma_start3A_136 = tpu.memref_slice %arg10[%mul3A_135] : memref<6400xi32, #tpu.memory_space<vmem>> -> memref<64xi32, #tpu.memory_space<vmem>>
        %dma_start3A_137 = arith.constant 0 : i32
        %dma_start3A_138 = arith.constant 0 : i32
        %dma_start3A_139 = tpu.memref_slice %arg4[%dma_start3A_137, %dma_start3A_138] : memref<100000x128xf32, #tpu.memory_space<hbm>> -> memref<100000x128xf32, #tpu.memory_space<hbm>>
        tpu.enqueue_indirect_dma source(%dma_start3A_139 : memref<100000x128xf32, #tpu.memory_space<hbm>>) target(%arg12 : memref<64x128xf32, #tpu.memory_space<vmem>>) offsets(%dma_start3A_136 : memref<64xi32, #tpu.memory_space<vmem>>) semaphore(%arg16 : memref<!tpu.dma_semaphore, #tpu.memory_space<semaphore_mem>>)
      } else {
      }
      %mul3A_93 = arith.constant 64 : i32
      %mul3A_94 = arith.muli %add3A_85, %mul3A_93 : i32
      %dma_wait3A_95 = tpu.memref_slice %arg10[%mul3A_94] : memref<6400xi32, #tpu.memory_space<vmem>> -> memref<64xi32, #tpu.memory_space<vmem>>
      %dma_wait3A_96 = arith.constant 0 : i32
      %dma_wait3A_97 = arith.constant 0 : i32
      %dma_wait3A_98 = tpu.memref_slice %arg4[%dma_wait3A_96, %dma_wait3A_97] : memref<100000x128xf32, #tpu.memory_space<hbm>> -> memref<100000x128xf32, #tpu.memory_space<hbm>>
      tpu.wait_indirect_dma semaphore(%arg18 : memref<!tpu.dma_semaphore, #tpu.memory_space<semaphore_mem>>) src(%dma_wait3A_98 : memref<100000x128xf32, #tpu.memory_space<hbm>>) dst(%arg14 : memref<64x128xf32, #tpu.memory_space<vmem>>)
      %mul3A_99 = arith.constant 64 : i32
      %mul3A_100 = arith.muli %add3A_85, %mul3A_99 : i32
      %add3A_101 = arith.addi %mul3A_2, %mul3A_100 : i32
      %dma_start3A_102 = arith.constant 0 : i32
      %dma_start3A_103 = tpu.memref_slice %arg7[%add3A_101, %dma_start3A_102] : memref<204800x128xf32, #tpu.memory_space<hbm>> -> memref<64x128xf32, #tpu.memory_space<hbm>>
      %dma_start3A_104 = arith.constant 0 : i32
      %dma_start3A_105 = tpu.memref_slice %arg7[%add3A_101, %dma_start3A_104] : memref<204800x128xf32, #tpu.memory_space<hbm>> -> memref<64x128xf32, #tpu.memory_space<hbm>>
      tpu.enqueue_dma source(%arg14 : memref<64x128xf32, #tpu.memory_space<vmem>>) target(%dma_start3A_105 : memref<64x128xf32, #tpu.memory_space<hbm>>) target_semaphore(%arg22 : memref<!tpu.dma_semaphore, #tpu.memory_space<semaphore_mem>>)
      %add3A_106 = arith.constant 3 : i32
      %add3A_107 = arith.addi %mul3A_42, %add3A_106 : i32
      %add3A_108 = arith.constant 2 : i32
      %add3A_109 = arith.addi %add3A_107, %add3A_108 : i32
      %lt3A_110 = arith.constant 100 : i32
      %lt3A_111 = arith.cmpi slt, %add3A_109, %lt3A_110 : i32
      %convert_element_type3A_112 = arith.extui %lt3A_111 : i1 to i32
      %cond3A_113 = arith.constant 0 : i32
      %cond3A_114 = arith.cmpi ne, %convert_element_type3A_112, %cond3A_113 : i32
      scf.if %cond3A_114 {
        %ge3A = arith.constant 2 : i32
        %ge3A_128 = arith.cmpi sge, %add3A_107, %ge3A : i32
        %convert_element_type3A_129 = arith.extui %ge3A_128 : i1 to i32
        %cond3A_130 = arith.constant 0 : i32
        %cond3A_131 = arith.cmpi ne, %convert_element_type3A_129, %cond3A_130 : i32
        scf.if %cond3A_131 {
          %sub3A = arith.constant 2 : i32
          %sub3A_140 = arith.subi %add3A_107, %sub3A : i32
          %mul3A_141 = arith.constant 64 : i32
          %mul3A_142 = arith.muli %sub3A_140, %mul3A_141 : i32
          %add3A_143 = arith.addi %mul3A_2, %mul3A_142 : i32
          %dma_wait3A_144 = arith.constant 0 : i32
          %dma_wait3A_145 = tpu.memref_slice %arg7[%add3A_143, %dma_wait3A_144] : memref<204800x128xf32, #tpu.memory_space<hbm>> -> memref<64x128xf32, #tpu.memory_space<hbm>>
          %dma_wait3A_146 = arith.constant 0 : i32
          %dma_wait3A_147 = tpu.memref_slice %arg7[%add3A_143, %dma_wait3A_146] : memref<204800x128xf32, #tpu.memory_space<hbm>> -> memref<64x128xf32, #tpu.memory_space<hbm>>
          tpu.wait_dma2 semaphore(%arg21 : memref<!tpu.dma_semaphore, #tpu.memory_space<semaphore_mem>>) src(%arg13 : memref<64x128xf32, #tpu.memory_space<vmem>>) dst(%dma_wait3A_147 : memref<64x128xf32, #tpu.memory_space<hbm>>)
        } else {
        }
        %add3A_132 = arith.constant 2 : i32
        %add3A_133 = arith.addi %add3A_107, %add3A_132 : i32
        %mul3A_134 = arith.constant 64 : i32
        %mul3A_135 = arith.muli %add3A_133, %mul3A_134 : i32
        %dma_start3A_136 = tpu.memref_slice %arg10[%mul3A_135] : memref<6400xi32, #tpu.memory_space<vmem>> -> memref<64xi32, #tpu.memory_space<vmem>>
        %dma_start3A_137 = arith.constant 0 : i32
        %dma_start3A_138 = arith.constant 0 : i32
        %dma_start3A_139 = tpu.memref_slice %arg4[%dma_start3A_137, %dma_start3A_138] : memref<100000x128xf32, #tpu.memory_space<hbm>> -> memref<100000x128xf32, #tpu.memory_space<hbm>>
        tpu.enqueue_indirect_dma source(%dma_start3A_139 : memref<100000x128xf32, #tpu.memory_space<hbm>>) target(%arg13 : memref<64x128xf32, #tpu.memory_space<vmem>>) offsets(%dma_start3A_136 : memref<64xi32, #tpu.memory_space<vmem>>) semaphore(%arg17 : memref<!tpu.dma_semaphore, #tpu.memory_space<semaphore_mem>>)
      } else {
      }
      %mul3A_115 = arith.constant 64 : i32
      %mul3A_116 = arith.muli %add3A_107, %mul3A_115 : i32
      %dma_wait3A_117 = tpu.memref_slice %arg10[%mul3A_116] : memref<6400xi32, #tpu.memory_space<vmem>> -> memref<64xi32, #tpu.memory_space<vmem>>
      %dma_wait3A_118 = arith.constant 0 : i32
      %dma_wait3A_119 = arith.constant 0 : i32
      %dma_wait3A_120 = tpu.memref_slice %arg4[%dma_wait3A_118, %dma_wait3A_119] : memref<100000x128xf32, #tpu.memory_space<hbm>> -> memref<100000x128xf32, #tpu.memory_space<hbm>>
      tpu.wait_indirect_dma semaphore(%arg19 : memref<!tpu.dma_semaphore, #tpu.memory_space<semaphore_mem>>) src(%dma_wait3A_120 : memref<100000x128xf32, #tpu.memory_space<hbm>>) dst(%arg15 : memref<64x128xf32, #tpu.memory_space<vmem>>)
      %mul3A_121 = arith.constant 64 : i32
      %mul3A_122 = arith.muli %add3A_107, %mul3A_121 : i32
      %add3A_123 = arith.addi %mul3A_2, %mul3A_122 : i32
      %dma_start3A_124 = arith.constant 0 : i32
      %dma_start3A_125 = tpu.memref_slice %arg7[%add3A_123, %dma_start3A_124] : memref<204800x128xf32, #tpu.memory_space<hbm>> -> memref<64x128xf32, #tpu.memory_space<hbm>>
      %dma_start3A_126 = arith.constant 0 : i32
      %dma_start3A_127 = tpu.memref_slice %arg7[%add3A_123, %dma_start3A_126] : memref<204800x128xf32, #tpu.memory_space<hbm>> -> memref<64x128xf32, #tpu.memory_space<hbm>>
      tpu.enqueue_dma source(%arg15 : memref<64x128xf32, #tpu.memory_space<vmem>>) target(%dma_start3A_127 : memref<64x128xf32, #tpu.memory_space<hbm>>) target_semaphore(%arg23 : memref<!tpu.dma_semaphore, #tpu.memory_space<semaphore_mem>>)
    }
    %scan3A_16 = arith.constant 25 : i32
    %add3A_17 = arith.constant 6144 : i32
    %add3A_18 = arith.addi %mul3A_2, %add3A_17 : i32
    %dma_wait3A = arith.constant 0 : i32
    %dma_wait3A_19 = tpu.memref_slice %arg7[%add3A_18, %dma_wait3A] : memref<204800x128xf32, #tpu.memory_space<hbm>> -> memref<64x128xf32, #tpu.memory_space<hbm>>
    %dma_wait3A_20 = arith.constant 0 : i32
    %dma_wait3A_21 = tpu.memref_slice %arg7[%add3A_18, %dma_wait3A_20] : memref<204800x128xf32, #tpu.memory_space<hbm>> -> memref<64x128xf32, #tpu.memory_space<hbm>>
    tpu.wait_dma2 semaphore(%arg20 : memref<!tpu.dma_semaphore, #tpu.memory_space<semaphore_mem>>) src(%arg12 : memref<64x128xf32, #tpu.memory_space<vmem>>) dst(%dma_wait3A_21 : memref<64x128xf32, #tpu.memory_space<hbm>>)
    %add3A_22 = arith.constant 6208 : i32
    %add3A_23 = arith.addi %mul3A_2, %add3A_22 : i32
    %dma_wait3A_24 = arith.constant 0 : i32
    %dma_wait3A_25 = tpu.memref_slice %arg7[%add3A_23, %dma_wait3A_24] : memref<204800x128xf32, #tpu.memory_space<hbm>> -> memref<64x128xf32, #tpu.memory_space<hbm>>
    %dma_wait3A_26 = arith.constant 0 : i32
    %dma_wait3A_27 = tpu.memref_slice %arg7[%add3A_23, %dma_wait3A_26] : memref<204800x128xf32, #tpu.memory_space<hbm>> -> memref<64x128xf32, #tpu.memory_space<hbm>>
    tpu.wait_dma2 semaphore(%arg21 : memref<!tpu.dma_semaphore, #tpu.memory_space<semaphore_mem>>) src(%arg13 : memref<64x128xf32, #tpu.memory_space<vmem>>) dst(%dma_wait3A_27 : memref<64x128xf32, #tpu.memory_space<hbm>>)
    %add3A_28 = arith.constant 6272 : i32
    %add3A_29 = arith.addi %mul3A_2, %add3A_28 : i32
    %dma_wait3A_30 = arith.constant 0 : i32
    %dma_wait3A_31 = tpu.memref_slice %arg7[%add3A_29, %dma_wait3A_30] : memref<204800x128xf32, #tpu.memory_space<hbm>> -> memref<64x128xf32, #tpu.memory_space<hbm>>
    %dma_wait3A_32 = arith.constant 0 : i32
    %dma_wait3A_33 = tpu.memref_slice %arg7[%add3A_29, %dma_wait3A_32] : memref<204800x128xf32, #tpu.memory_space<hbm>> -> memref<64x128xf32, #tpu.memory_space<hbm>>
    tpu.wait_dma2 semaphore(%arg22 : memref<!tpu.dma_semaphore, #tpu.memory_space<semaphore_mem>>) src(%arg14 : memref<64x128xf32, #tpu.memory_space<vmem>>) dst(%dma_wait3A_33 : memref<64x128xf32, #tpu.memory_space<hbm>>)
    %add3A_34 = arith.constant 6336 : i32
    %add3A_35 = arith.addi %mul3A_2, %add3A_34 : i32
    %dma_wait3A_36 = arith.constant 0 : i32
    %dma_wait3A_37 = tpu.memref_slice %arg7[%add3A_35, %dma_wait3A_36] : memref<204800x128xf32, #tpu.memory_space<hbm>> -> memref<64x128xf32, #tpu.memory_space<hbm>>
    %dma_wait3A_38 = arith.constant 0 : i32
    %dma_wait3A_39 = tpu.memref_slice %arg7[%add3A_35, %dma_wait3A_38] : memref<204800x128xf32, #tpu.memory_space<hbm>> -> memref<64x128xf32, #tpu.memory_space<hbm>>
    tpu.wait_dma2 semaphore(%arg23 : memref<!tpu.dma_semaphore, #tpu.memory_space<semaphore_mem>>) src(%arg15 : memref<64x128xf32, #tpu.memory_space<vmem>>) dst(%dma_wait3A_39 : memref<64x128xf32, #tpu.memory_space<hbm>>)
    return
  }
}

</mosaic_0001>

<sc_bundles>
// kernel: kernel.3.cloned.1.call-start
scs
__scs_entry_jumppad:
0x0: {  	(pc) =	sbr.rel $0x88, $3  }
0x1: {  	(tag) =	ssettag $0x0;
	lr =	simm.s32 $0x1  }
0x2: {  	[smem:$0x3F9C] =	sst lr;
	_ =	strace $0xD0000000  }
0x3: {  	_ = 	snop  }
0x4: {  	_ = 	snop  }
0x5: {  	_ = 	snop  }
0x6: {  	_ = 	snop  }
0x7: {  	_ = 	snop  }
__scs_overlays_trampoline_lowered:
0x8: {  	[smem:$0x3FAB] =	sst s0  }
0x9: {  	[smem:$0x3FAC] =	sst s1  }
0xa: {  	[smem:$0x3FAD] =	sst s2  }
0xb: {  	[smem:$0x3FAE] =	sst s3  }
0xc: {  	[smem:$0x3FAF] =	sst s4  }
0xd: {  	[smem:$0x3FB0] =	sst s5  }
0xe: {  	[smem:$0x3FB1] =	sst s6  }
0xf: {  	[smem:$0x3FB2] =	sst s7  }
0x10: {  	[smem:$0x3FB3] =	sst s8  }
0x11: {  	[smem:$0x3FB4] =	sst s9;
	s0 =	simm.s32 @!p0 $0x0  }
0x12: {  	s1 =	sld [smem:$0x3F9A];
	s0 =	simm.s32 @p0 $0x1  }
0x13: {  	[smem:$0x3FB5] =	sst s0;
	s0 =	simm.s32 @!p1 $0x0  }
0x14: {  	s2 =	sld [smem:$0x3F99];
	s0 =	simm.s32 @p1 $0x1  }
0x15: {  	[smem:$0x3FB6] =	sst s0;
	s0 =	simm.s32 @!p2 $0x0  }
0x16: {  	s3 =	sld [smem:$0x3FDB];
	s0 =	simm.s32 @p2 $0x1  }
0x17: {  	s4 =	simm.s32 $0x1BF5;
	[smem:$0x3FB8] =	sst s0  }
0x18: {  	s0 =	sld [smem:$0x3F9B];
	_ =	swait.ge [sflag:s4], $0x0  }
0x19: {  	s7 =	sld [smem:$0x3F9C]  }
0x1a: {  	s8 =	sadd.s32 $0xFFFFE003, lr  }
0x1b: {  	s9 =	sadd.s32 $0xFFFFFEF7, lr;
	s5 =	simm.s32 $0xFFFFFFFF;
	p2 =	slt.u32 s8, $0xFFFFF086  }
0x1c: {  	p1 =	slt.u32 s9, $0xF7A;
	s5 =	simm.s32 @!p2 $0x0  }
0x1d: {  	s5 =	simm.s32 @p1 $0x1;
	p0 =	seq.s32 s7, s2  }
0x1e: {  	s7 =	smul.u32 @!p0 $0xF7A, s2;
	p2 =	seq.s32 @!p0 s5, $0x0  }
0x1f: {  	s9 =	smul.u32 $0xF7A, s1;
	s8 =	simm.s32 @!p0 $0x1BF5;
	p2 =	por !p2, p0  }
0x20: {  	[sflag:s8] =	ssyncset.s32 @!p0 $0xFFFFF086;
	s6 =	sadd.s32 @!p0 s3, s7;
	s7 =	simm.s32 @!p0 $0x108  }
0x21: {  	s3 =	sadd.s32 s3, s9;
	s6 =	sadd.s32 @!p0 $0x88, s6;
	s7 =	simm.s32 @p2 $0x1082  }
0x22: {  	[simem:s7], [sflag:s8] =	dma.local @!p0 [hbm:s6], $0xF7A  }
0x23: {  	s9 =	sor.u32 $0xD0000000, s2;
	s6 =	simm.s32 $0x108;
	_ =	swait.ge @!p0 [sflag:s8], $0x0  }
0x24: {  	s3 =	sadd.s32 $0x88, s3;
	s6 =	simm.s32 @!p1 $0x1082;
	[sflag:s4] =	ssyncset.s32 $0xFFFFF086  }
0x25: {  	[simem:s6], [sflag:s4] =	dma.local [hbm:s3], $0xF7A  }
0x26: {  	[smem:$0x3F9C] =	sst s1;
	(tag) =	ssettag s2;
	_ =	strace s9  }
0x27: {  	s1 =	sld [smem:$0x3FAC]  }
0x28: {  	s2 =	sld [smem:$0x3FAD]  }
0x29: {  	s4 =	sld [smem:$0x3FAF]  }
0x2a: {  	p0 =	seq.s32 s5, $0x0;
	s5 =	sld [smem:$0x3FB0]  }
0x2b: {  	s6 =	sld [smem:$0x3FB1]  }
0x2c: {  	s7 =	sld [smem:$0x3FB2]  }
0x2d: {  	s3 =	simm.s32 $0x108;
	s8 =	sld [smem:$0x3FB3]  }
0x2e: {  	s3 =	simm.s32 @!p0 $0x1082;
	s9 =	sld [smem:$0x3FB4]  }
0x2f: {  	lr =	sadd.s32 s0, s3;
	s0 =	sld [smem:$0x3FAB]  }
0x30: {  	s3 =	sld [smem:$0x3FAE]  }
0x31: {  	[smem:$0x3FB7] =	sst s10  }
0x32: {  	s10 =	sld [smem:$0x3FB5];
	_ =	sdelay $0x3  }
0x33: {  	p0 =	seq.s32 s10, $0x1;
	s10 =	sld [smem:$0x3FB7];
	_ =	sdelay $0x3  }
0x34: {  	[smem:$0x3FB7] =	sst s10  }
0x35: {  	s10 =	sld [smem:$0x3FB6];
	_ =	sdelay $0x3  }
0x36: {  	p1 =	seq.s32 s10, $0x1;
	s10 =	sld [smem:$0x3FB7];
	_ =	sdelay $0x3  }
0x37: {  	[smem:$0x3FB7] =	sst s10  }
0x38: {  	s10 =	sld [smem:$0x3FB8]  }
0x39: {  	_ = 	snop;
	(pc) =	sbr.ind lr, $3  }
0x3a: {  	_ = 	snop  }
0x3b: {  	_ = 	snop  }
0x3c: {  	p2 =	seq.s32 s10, $0x1;
	s10 =	sld [smem:$0x3FB7]  }
0x3d: {  	_ =	shalt  }
0x3e: {  	_ =	shalt  }
0x3f: {  	_ =	shalt  }
0x40: {  	_ =	shalt  }
0x41: {  	_ =	shalt  }
0x42: {  	_ =	shalt  }
0x43: {  	_ =	shalt  }
0x44: {  	_ =	shalt  }
0x45: {  	_ =	shalt  }
0x46: {  	_ =	shalt  }
0x47: {  	_ =	shalt  }
0x48: {  	_ =	shalt  }
0x49: {  	_ =	shalt  }
0x4a: {  	_ =	shalt  }
0x4b: {  	_ =	shalt  }
0x4c: {  	_ =	shalt  }
0x4d: {  	_ =	shalt  }
0x4e: {  	_ =	shalt  }
0x4f: {  	_ =	shalt  }
0x50: {  	_ =	shalt  }
0x51: {  	_ =	shalt  }
0x52: {  	_ =	shalt  }
0x53: {  	_ =	shalt  }
0x54: {  	_ =	shalt  }
0x55: {  	_ =	shalt  }
0x56: {  	_ =	shalt  }
0x57: {  	_ =	shalt  }
0x58: {  	_ =	shalt  }
0x59: {  	_ =	shalt  }
0x5a: {  	_ =	shalt  }
0x5b: {  	_ =	shalt  }
0x5c: {  	_ =	shalt  }
0x5d: {  	_ =	shalt  }
0x5e: {  	_ =	shalt  }
0x5f: {  	_ =	shalt  }
0x60: {  	_ =	shalt  }
0x61: {  	_ =	shalt  }
0x62: {  	_ =	shalt  }
0x63: {  	_ =	shalt  }
0x64: {  	_ =	shalt  }
0x65: {  	_ =	shalt  }
0x66: {  	_ =	shalt  }
0x67: {  	_ =	shalt  }
0x68: {  	_ =	shalt  }
0x69: {  	_ =	shalt  }
0x6a: {  	_ =	shalt  }
0x6b: {  	_ =	shalt  }
0x6c: {  	_ =	shalt  }
0x6d: {  	_ =	shalt  }
0x6e: {  	_ =	shalt  }
0x6f: {  	_ =	shalt  }
0x70: {  	_ =	shalt  }
0x71: {  	_ =	shalt  }
0x72: {  	_ =	shalt  }
0x73: {  	_ =	shalt  }
0x74: {  	_ =	shalt  }
0x75: {  	_ =	shalt  }
0x76: {  	_ =	shalt  }
0x77: {  	_ =	shalt  }
0x78: {  	_ =	shalt  }
0x79: {  	_ =	shalt  }
0x7a: {  	_ =	shalt  }
0x7b: {  	_ =	shalt  }
0x7c: {  	_ =	shalt  }
0x7d: {  	_ =	shalt  }
0x7e: {  	_ =	shalt  }
0x7f: {  	_ =	shalt  }
0x80: {  	_ =	shalt  }
0x81: {  	_ =	shalt  }
0x82: {  	_ =	shalt  }
0x83: {  	_ =	shalt  }
0x84: {  	_ =	shalt  }
0x85: {  	_ =	shalt  }
0x86: {  	_ =	shalt  }
0x87: {  	_ =	shalt  }
.Lfunc_end0:
.L_simem_size_0:
called_computation_lowered:
.L_overlay_start_0:
0x88: {  	s2 =	sld [smem:$0x3FD9]  }
0x89: {  	s3 =	sld [smem:$0x3FFE];
	_ =	sdelay $0x1  }
0x8a: {  	s1 =	srdreg.scid  }
0x8b: {  	s0 =	sand.u32 $0x1, s1  }
0x8c: {  	s17 =	sshll.u32 s0, $0xA;
	s2 =	sadd.s32 s3, s2  }
0x8d: {  	s2 =	sadd.s32 s2, s17  }
0x8e: {  	[smem:$0x3FC3] =	sst s2  }
0x8f: {  	_ = 	snop  }
0x90: {  	s2 =	sld [smem:$0x3FC7]  }
0x91: {  	s18 =	sld [smem:$0x3FC6]  }
0x92: {  	s4 =	sld [smem:$0x3FD0];
	(tm) =	ssettm $0x1  }
0x93: {  	s5 =	sld [smem:$0x3FFB];
	_ =	sdelay $0x3  }
0x94: {  	_ =	strace s5  }
0x95: {  	s5 =	sld [smem:$0x3FFC];
	_ =	sdelay $0x3  }
0x96: {  	_ =	strace s5  }
0x97: {  	s5 =	sld [smem:$0x3FFD];
	_ =	sdelay $0x3  }
0x98: {  	_ =	strace s5  }
0x99: {  	_ =	strace $0x8FFFFFFF  }
0x9a: {  	s19 =	sld [smem:$0x3FDB];
	_ =	sdelay $0x1  }
0x9b: {  	s6 =	simm.s32 $_scs_section_size  }
0x9c: {  	s7 =	simm.s32 $_size__tile_overlayer_lowered;
	s8 =	simm.s32 $_tile_overlayer_lowered  }
0x9d: {  	s22 =	simm.s32 $0x1BFF;
	s21 =	sshll.u32 s8, $0x1;
	s5 =	sadd.s32 s6, s19  }
0x9e: {  	s9 =	simm.s32 $0x0;
	s20 =	sshll.u32 s7, $0x1;
	s7 =	sadd.s32 s21, s5  }
0x9f: {  	[timem:s9], [sflag:s22] =	dma.local [hbm:s7], s20  }
0xa0: {  	_ =	swait.ge [sflag:s22], s20  }
0xa1: {  	s6 =	ssub.s32 $0x0, s20;
	[sflag:s22] =	ssyncset.done $0x0  }
0xa2: {  	[sflag:s22] =	ssyncadd.s32 s6;
	_ =	sdelay $0x1  }
0xa3: {  	s23 =	simm.s32 $0x1B8B  }
0xa4: {  	_ =	swait.ge [sflag:s23], $0x1  }
0xa5: {  	[sflag:s23] =	ssyncset.done $0x0  }
0xa6: {  	s25 =	simm.s32 $0x1B8E;
	s24 =	sld [smem:$0x3FFE];
	[sflag:s23] =	ssyncadd.s32 $0xFFFFFFFF  }
0xa7: {  	s26 =	simm.s32 $execute0_lowered;
	[smem:$0x3FD2] =	sst s25  }
0xa8: {  	s7 =	sshll.u32 s26, $0x1;
	_ =	strace $0x80000046;
	[dreg:$0x1] =	wrdreg $0xFFFFFFFF  }
0xa9: {  	s28 =	simm.s32 $_size_execute0_lowered;
	s5 =	sadd.s32 s5, s7;
	[dreg:$0x0] =	wrdreg $0x0  }
0xaa: {  	s7 =	sshll.u32 s28, $0x1;
	[dreg:$0x2] =	wrdreg s5  }
0xab: {  	[dreg:$0x3] =	wrdreg s7  }
0xac: {  	[dreg:$0x4] =	wrdreg $0xC0  }
0xad: {  	_ =	task [dreg:s9], $0x5FFFF  }
0xae: {  	[dreg:$0x1] =	wrdreg $0xFFFFFFFF  }
0xaf: {  	[dreg:$0x0] =	wrdreg $0x60  }
0xb0: {  	[dreg:$0x2] =	wrdreg s24  }
0xb1: {  	[dreg:$0x3] =	wrdreg s2  }
0xb2: {  	[dreg:$0x4] =	wrdreg s18  }
0xb3: {  	[dreg:$0x5] =	wrdreg s4  }
0xb4: {  	[dreg:$0x6] =	wrdreg $0x9  }
0xb5: {  	_ =	task.clear_ibuf [dreg:s9], $0x7FFFF;
	_ =	strace $0x90000046  }
0xb6: {  	s29 =	simm.s32 $0x9;
	_ =	strace $0x80000048  }
0xb7: {  	_ =	swait.ge [sflag:s29], $0x1  }
0xb8: {  	[sflag:s29] =	ssyncadd.s32 $0xFFFFFFFF  }
0xb9: {  	_ =	strace $0x90000048  }
0xba: {  	_ =	sfence  }
0xbb: {  	s30 =	sld [smem:$0x0];
	_ =	sdelay $0x2  }
0xbc: {  	s31 =	sshll.u32 s1, $0xD;
	s1 =	sshrl.u32 s1, $0x2  }
0xbd: {  	s3 =	sand.u32 $0x4000, s31;
	s1 =	sadd.s32 s1, s30  }
0xbe: {  	s0 =	sor.u32 s3, s0;
	s1 =	sshll.u32 s1, $0x11  }
0xbf: {  	s0 =	sor.u32 s1, s0  }
0xc0: {  	s0 =	sadd.s32 $0x8F2B, s0  }
0xc1: {  	[sflag:s0] =	ssyncadd.remote.s32 $0x1  }
0xc2: {  	_ =	sfence.sel $0xFFFF  }
0xc3: {  	[dreg:$0x0] =	wrdreg $0xFFFFFFFF;
	(pc) =	sbr.abs _section_cstart, $3  }
0xc4: {  	[dreg:$0x1] =	wrdreg $0xFFFFFFFF  }
0xc5: {  	_ =	task.clear_ibuf [dreg:s9], $0x2FFFF;
	_ =	strace $0x9FFFFFFF  }
0xc6: {  	(tm) =	ssettm $0x7FFFFFFF  }
0xc7: {  	_ =	shalt  }
tec
execute0_lowered:
.L_overlay_start_1:
0x0: {  	(tag) =	ssettag $0x1  }
0x1: {  	s0 =	rddreg [dreg:$0x0]  }
0x2: {  	s1 =	rddreg [dreg:$0x1]  }
0x3: {  	s2 =	srdreg.scid;
	s9 =	stileid.u32  }
0x4: {  	s3 =	rddreg [dreg:$0x3];
	s4 =	simm.s32 $0x0;
	s14 =	simm.s32 $0x9  }
0x5: {  	s17 =	simm.s32 $0x40;
	s18 =	simm.s32 $0x9800;
	s20 =	simm.s32 $0xB800  }
0x6: {  	s21 =	simm.s32 $0xD800;
	s22 =	simm.s32 $0x1;
	s6 =	smul.u32 $0x32000, s9  }
0x7: {  	s23 =	simm.s32 $0xF800;
	s2 =	sand.u32 $0x1, s2;
	s10 =	smul.u32 $0x190000, s9  }
0x8: {  	s31 =	simm.s32 $0x8;
	s5 =	sshll.u32 s9, $0x1;
	s8 =	smul.u32 $0x19000, s2  }
0x9: {  	s5 =	sor.u32 s2, s5;
	s7 =	ssub.s32 $0x2, s2;
	s2 =	smul.u32 $0xC8000, s2  }
0xa: {  	[smem:$0x7FF] =	sst s4;
	s5 =	smul.u32 $0x320, s5;
	s6 =	sadd.s32 s6, s3  }
0xb: {  	_ =	strace $0x80000047;
	s24 =	sshrl.u32 s7, $0x1;
	s26 =	sadd.s32 s8, s6  }
0xc: {  	s28 =	sadd.s32 s2, s10;
	s5 =	sadd.s32 s5, s0;
	s0 =	sadd.s32 $0x400, s0  }
0xd: {  	s9 =	sadd.s32 $0x400, s26;
	s2 =	sshrl.u32 s28, $0x3;
	s29 =	sor.u32 $0x6000, s28  }
0xe: {  	s26 =	simm.s32 $0x4;
	[dreg:$0x5] =	wrdreg s0;
	s0 =	ssub.s32 s7, s24  }
0xf: {  	s25 =	sadd.s32 $0x1200, s5;
	s5 =	sadd.s32 $0x7600, s5;
	s10 =	sadd.s32 s2, s3  }
0x10: {  	s30 =	sshrl.u32 s29, $0x3;
	[dreg:$0x6] =	wrdreg s25;
	s0 =	smax.u32 s0, $0x1  }
0x11: {  	s24 =	simm.s32 $0x2;
	[dreg:$0x8] =	wrdreg s0;
	s0 =	sor.u32 $0x4000, s28  }
0x12: {  	s2 =	simm.s32 $0x0;
	[dreg:$0x7] =	wrdreg s5;
	s0 =	sshrl.u32 s0, $0x3  }
0x13: {  	s6 =	sadd.s32 s30, s3;
	s25 =	simm.s32 $0x3;
	s12 =	sadd.s32 s0, s3  }
.LBB2_1:
0x14: {  	s0 =	rddreg [dreg:$0x6];
	s3 =	simm.s32 $0x6600  }
0x15: {  	[tilespmem:s3], [sflag:$0x9] =	stream.linear.gather [hbm4b:s0+s4], $0x1900, $0x38;
	[tilespmem:$0x11800] =	vst v63  }
0x16: {  	_ =	swait.ge [sflag:s14], $0x1900  }
0x17: {  	[sflag:s14] =	ssyncset.done $0x0  }
0x18: {  	s5 =	simm.s32 $0x7F00;
	s13 =	rddreg [dreg:$0x7];
	[sflag:s14] =	ssyncadd.s32 $0xFFFFE700  }
0x19: {  	[tilespmem:s5], [sflag:$0x9] =	stream.linear.gather [hbm4b:s13+s4], $0x1900, $0x38;
	[tilespmem:$0x11800] =	vst v63  }
0x1a: {  	_ =	swait.ge [sflag:s14], $0x1900  }
0x1b: {  	[sflag:s14] =	ssyncset.done $0x0  }
0x1c: {  	s15 =	rddreg [dreg:$0x5];
	[sflag:s14] =	ssyncadd.s32 $0xFFFFE700  }
0x1d: {  	[tilespmem:s4], [sflag:$0x9] =	stream.linear.gather [hbm4b:s15+s4], $0x6400, $0x38;
	[tilespmem:$0x11800] =	vst v63  }
0x1e: {  	_ =	swait.ge [sflag:s14], $0x6400  }
0x1f: {  	[sflag:s14] =	ssyncset.done $0x0  }
0x20: {  	[sflag:s14] =	ssyncadd.s32 $0xFFFF9C00  }
0x21: {  	s19 =	simm.s32 $0x6400;
	s16 =	rddreg [dreg:$0x2]  }
0x22: {  	[tilespmem:s19], [sflag:$0x9] =	stream.linear.gather [hbm4b:s16+s4], $0x180, $0x38;
	[tilespmem:$0x11800] =	vst v63  }
0x23: {  	_ =	swait.ge [sflag:s14], $0x180  }
0x24: {  	[sflag:s14] =	ssyncset.done $0x0  }
0x25: {  	p0 =	por $0x1, $0x1;
	[sflag:s14] =	ssyncadd.s32 $0xFFFFFE80  }
0x26: {  	[tilespmem:s18], [sflag:$0x1] =	stream.indirect.gather [hbm4b:s1+s17], $0x80, s3, s17, $0xb8;
	[tilespmem:$0x11800] =	vst v63  }
0x27: {  	s28 =	simm.s32 $0x6640;
	s0 =	simm.s32 @!p0 $0x7  }
0x28: {  	[tilespmem:s20], [sflag:$0x2] =	stream.indirect.gather [hbm4b:s1+s17], $0x80, s28, s17, $0xb8;
	[tilespmem:$0x11800] =	vst v63  }
0x29: {  	_ =	swait.ge @!p0 [sflag:s0], $0x2000  }
0x2a: {  	[sflag:s0] =	ssyncset.done @!p0 $0x0  }
0x2b: {  	s29 =	simm.s32 $0x6680;
	[sflag:s0] =	ssyncadd.s32 @!p0 $0xFFFFE000  }
0x2c: {  	[tilespmem:s21], [sflag:$0x3] =	stream.indirect.gather [hbm4b:s1+s17], $0x80, s29, s17, $0xb8;
	[tilespmem:$0x11800] =	vst v63  }
0x2d: {  	_ =	swait.ge [sflag:s22], $0x2000  }
0x2e: {  	[sflag:s22] =	ssyncset.done $0x0  }
0x2f: {  	s0 =	simm.s32 @!p0 $0x8;
	[sflag:s22] =	ssyncadd.s32 $0xFFFFE000  }
0x30: {  	[hbm4b:s10+s4] =	stream.linear.scatter [tilespmem:s18], [sflag:$0x5], $0x2000, $0x38;
	[tilespmem:$0x11800] =	vst v63  }
0x31: {  	_ =	swait.ge @!p0 [sflag:s0], $0x2000  }
0x32: {  	[sflag:s0] =	ssyncset.done @!p0 $0x0  }
0x33: {  	s30 =	simm.s32 $0x66C0;
	[sflag:s0] =	ssyncadd.s32 @!p0 $0xFFFFE000  }
0x34: {  	[tilespmem:s23], [sflag:$0x4] =	stream.indirect.gather [hbm4b:s1+s17], $0x80, s30, s17, $0xb8;
	[tilespmem:$0x11800] =	vst v63  }
0x35: {  	_ =	swait.ge [sflag:s24], $0x2000  }
0x36: {  	p0 =	por $0x0, $0x0;
	[sflag:s24] =	ssyncset.done $0x0  }
0x37: {  	s0 =	simm.s32 @!p0 $0x5;
	[sflag:s24] =	ssyncadd.s32 $0xFFFFE000  }
0x38: {  	[hbm4b:s9+s4] =	stream.linear.scatter [tilespmem:s20], [sflag:$0x6], $0x2000, $0x38;
	[tilespmem:$0x11800] =	vst v63  }
0x39: {  	_ =	swait.ge @!p0 [sflag:s0], $0x2000  }
0x3a: {  	s3 =	simm.s32 @!p0 $0x6700;
	[sflag:s0] =	ssyncset.done @!p0 $0x0  }
0x3b: {  	s11 =	simm.s32 @!p0 $0x40;
	s5 =	simm.s32 @!p0 $0x9800;
	[sflag:s0] =	ssyncadd.s32 @!p0 $0xFFFFE000  }
0x3c: {  	[tilespmem:s5], [sflag:$0x1] =	stream.indirect.gather @!p0 [hbm4b:s1+s11], $0x80, s3, s11, $0xb8;
	[tilespmem:$0x11800] =	vst v63  }
0x3d: {  	_ =	swait.ge [sflag:s25], $0x2000  }
0x3e: {  	[sflag:s25] =	ssyncset.done $0x0  }
0x3f: {  	s0 =	simm.s32 @!p0 $0x6;
	[sflag:s25] =	ssyncadd.s32 $0xFFFFE000  }
0x40: {  	[hbm4b:s12+s4] =	stream.linear.scatter [tilespmem:s21], [sflag:$0x7], $0x2000, $0x38;
	[tilespmem:$0x11800] =	vst v63  }
0x41: {  	p1 =	por $0x0, $0x0;
	_ =	swait.ge @!p0 [sflag:s0], $0x2000  }
0x42: {  	s15 =	simm.s32 $0x400;
	s19 =	sadd.s32 $0x1000, s10;
	[sflag:s0] =	ssyncset.done @!p0 $0x0  }
0x43: {  	s16 =	simm.s32 @!p0 $0xB800;
	s3 =	simm.s32 @!p0 $0x6740;
	[sflag:s0] =	ssyncadd.s32 @!p0 $0xFFFFE000  }
0x44: {  	[tilespmem:s16], [sflag:$0x2] =	stream.indirect.gather @!p0 [hbm4b:s1+s11], $0x80, s3, s11, $0xb8;
	[tilespmem:$0x11800] =	vst v63  }
0x45: {  	s5 =	simm.s32 $0x800;
	s0 =	sadd.s32 $0x1000, s6;
	s3 =	sadd.s32 $0x1000, s12  }
0x46: {  	s16 =	sadd.s32 $0x1000, s9;
	s11 =	smov.u32 s6;
	_ =	swait.ge [sflag:s26], $0x2000  }
.LBB2_2:
0x47: {  	s7 =	simm.s32 @!p1 $0x7  }
0x48: {  	[sflag:s26] =	ssyncset.done $0x0;
	s8 =	smov.u32 s5;
	s5 =	sadd.s32 $0x400, s5  }
0x49: {  	p0 =	sne.s32 s5, $0x6400;
	[sflag:s26] =	ssyncadd.s32 $0xFFFFE000  }
0x4a: {  	[hbm4b:s11+s4] =	stream.linear.scatter [tilespmem:s23], [sflag:$0x8], $0x2000, $0x38;
	[tilespmem:$0x11800] =	vst v63  }
0x4b: {  	s13 =	sshra.s32 s15, $0x2;
	s11 =	smov.u32 s0;
	_ =	swait.ge @!p1 [sflag:s7], $0x2000  }
0x4c: {  	s28 =	sadd.s32 $0x6680, s13;
	[sflag:s7] =	ssyncset.done @!p1 $0x0  }
0x4d: {  	[sflag:s7] =	ssyncadd.s32 @!p1 $0xFFFFE000  }
0x4e: {  	[tilespmem:s21], [sflag:$0x3] =	stream.indirect.gather [hbm4b:s1+s17], $0x80, s28, s17, $0xb8;
	[tilespmem:$0x11800] =	vst v63  }
0x4f: {  	_ =	swait.ge [sflag:s22], $0x2000  }
0x50: {  	s7 =	simm.s32 @!p1 $0x8;
	[sflag:s22] =	ssyncset.done $0x0  }
0x51: {  	[sflag:s22] =	ssyncadd.s32 $0xFFFFE000  }
0x52: {  	[hbm4b:s19+s4] =	stream.linear.scatter [tilespmem:s18], [sflag:$0x5], $0x2000, $0x38;
	[tilespmem:$0x11800] =	vst v63  }
0x53: {  	_ =	swait.ge @!p1 [sflag:s7], $0x2000  }
0x54: {  	s13 =	sadd.s32 $0x66C0, s13;
	[sflag:s7] =	ssyncset.done @!p1 $0x0  }
0x55: {  	[sflag:s7] =	ssyncadd.s32 @!p1 $0xFFFFE000  }
0x56: {  	[tilespmem:s23], [sflag:$0x4] =	stream.indirect.gather [hbm4b:s1+s17], $0x80, s13, s17, $0xb8;
	[tilespmem:$0x11800] =	vst v63  }
0x57: {  	_ =	swait.ge [sflag:s24], $0x2000  }
0x58: {  	p1 =	seq.s32 s15, $0x6000;
	[sflag:s24] =	ssyncset.done $0x0  }
0x59: {  	s7 =	simm.s32 @!p1 $0x5;
	s13 =	sshra.s32 @!p1 s15, $0x2;
	[sflag:s24] =	ssyncadd.s32 $0xFFFFE000  }
0x5a: {  	[hbm4b:s16+s4] =	stream.linear.scatter [tilespmem:s20], [sflag:$0x6], $0x2000, $0x38;
	[tilespmem:$0x11800] =	vst v63  }
0x5b: {  	s28 =	sadd.s32 @!p1 $0x6700, s13;
	s13 =	sadd.s32 @!p1 $0x6740, s13;
	_ =	swait.ge @!p1 [sflag:s7], $0x2000  }
0x5c: {  	s29 =	simm.s32 @!p1 $0x40;
	s30 =	simm.s32 @!p1 $0x9800;
	[sflag:s7] =	ssyncset.done @!p1 $0x0  }
0x5d: {  	s15 =	smov.u32 s8;
	[sflag:s7] =	ssyncadd.s32 @!p1 $0xFFFFE000  }
0x5e: {  	[tilespmem:s30], [sflag:$0x1] =	stream.indirect.gather @!p1 [hbm4b:s1+s29], $0x80, s28, s29, $0xb8;
	[tilespmem:$0x11800] =	vst v63  }
0x5f: {  	_ =	swait.ge [sflag:s25], $0x2000  }
0x60: {  	[sflag:s25] =	ssyncset.done $0x0  }
0x61: {  	s7 =	simm.s32 @!p1 $0x6;
	[sflag:s25] =	ssyncadd.s32 $0xFFFFE000  }
0x62: {  	[hbm4b:s3+s4] =	stream.linear.scatter [tilespmem:s21], [sflag:$0x7], $0x2000, $0x38;
	[tilespmem:$0x11800] =	vst v63  }
.Ltmp0:
0x63: {  	_ =	swait.ge @!p1 [sflag:s7], $0x2000;
	(pc) =	sbr.rel @p0 .LBB2_2-.Ltmp0, $4  }
0x64: {  	s8 =	simm.s32 @!p1 $0xB800;
	s3 =	sadd.s32 $0x1000, s3;
	[sflag:s7] =	ssyncset.done @!p1 $0x0  }
0x65: {  	s0 =	sadd.s32 $0x1000, s0;
	s19 =	sadd.s32 $0x1000, s19;
	[sflag:s7] =	ssyncadd.s32 @!p1 $0xFFFFE000  }
0x66: {  	[tilespmem:s8], [sflag:$0x2] =	stream.indirect.gather @!p1 [hbm4b:s1+s29], $0x80, s13, s29, $0xb8;
	[tilespmem:$0x11800] =	vst v63  }
0x67: {  	s16 =	sadd.s32 $0x1000, s16;
	p1 =	seq.s32 s15, $0x0;
	_ =	swait.ge [sflag:s26], $0x2000  }
0x68: {  	[sflag:s26] =	ssyncset.done $0x0  }
0x69: {  	s5 =	simm.s32 @!p1 $0x7;
	[sflag:s26] =	ssyncadd.s32 $0xFFFFE000  }
0x6a: {  	[hbm4b:s11+s4] =	stream.linear.scatter [tilespmem:s23], [sflag:$0x8], $0x2000, $0x38;
	[tilespmem:$0x11800] =	vst v63  }
0x6b: {  	_ =	swait.ge @!p1 [sflag:s5], $0x2000  }
0x6c: {  	s7 =	sshra.s32 s15, $0x2;
	[sflag:s5] =	ssyncset.done @!p1 $0x0  }
0x6d: {  	s8 =	sadd.s32 $0x6680, s7;
	[sflag:s5] =	ssyncadd.s32 @!p1 $0xFFFFE000  }
0x6e: {  	[tilespmem:s21], [sflag:$0x3] =	stream.indirect.gather [hbm4b:s1+s17], $0x80, s8, s17, $0xb8;
	[tilespmem:$0x11800] =	vst v63  }
0x6f: {  	_ =	swait.ge [sflag:s22], $0x2000  }
0x70: {  	[sflag:s22] =	ssyncset.done $0x0  }
0x71: {  	s5 =	simm.s32 @!p1 $0x8;
	[sflag:s22] =	ssyncadd.s32 $0xFFFFE000  }
0x72: {  	[hbm4b:s19+s4] =	stream.linear.scatter [tilespmem:s18], [sflag:$0x5], $0x2000, $0x38;
	[tilespmem:$0x11800] =	vst v63  }
0x73: {  	_ =	swait.ge @!p1 [sflag:s5], $0x2000  }
0x74: {  	[sflag:s5] =	ssyncset.done @!p1 $0x0  }
0x75: {  	s7 =	sadd.s32 $0x66C0, s7;
	[sflag:s5] =	ssyncadd.s32 @!p1 $0xFFFFE000  }
0x76: {  	[tilespmem:s23], [sflag:$0x4] =	stream.indirect.gather [hbm4b:s1+s17], $0x80, s7, s17, $0xb8;
	[tilespmem:$0x11800] =	vst v63  }
0x77: {  	_ =	swait.ge [sflag:s24], $0x2000  }
0x78: {  	p0 =	seq.s32 s15, $0x6000;
	[sflag:s24] =	ssyncset.done $0x0  }
0x79: {  	s5 =	simm.s32 @!p0 $0x5;
	[sflag:s24] =	ssyncadd.s32 $0xFFFFE000  }
0x7a: {  	[hbm4b:s16+s4] =	stream.linear.scatter [tilespmem:s20], [sflag:$0x6], $0x2000, $0x38;
	[tilespmem:$0x11800] =	vst v63  }
0x7b: {  	_ =	swait.ge @!p0 [sflag:s5], $0x2000  }
0x7c: {  	s13 =	simm.s32 @!p0 $0x9800;
	s7 =	sshra.s32 @!p0 s15, $0x2;
	[sflag:s5] =	ssyncset.done @!p0 $0x0  }
0x7d: {  	s11 =	simm.s32 @!p0 $0x40;
	s8 =	sadd.s32 @!p0 $0x6700, s7;
	[sflag:s5] =	ssyncadd.s32 @!p0 $0xFFFFE000  }
0x7e: {  	[tilespmem:s13], [sflag:$0x1] =	stream.indirect.gather @!p0 [hbm4b:s1+s11], $0x80, s8, s11, $0xb8;
	[tilespmem:$0x11800] =	vst v63  }
0x7f: {  	_ =	swait.ge [sflag:s25], $0x2000  }
0x80: {  	[sflag:s25] =	ssyncset.done $0x0  }
0x81: {  	s5 =	simm.s32 @!p0 $0x6;
	[sflag:s25] =	ssyncadd.s32 $0xFFFFE000  }
0x82: {  	[hbm4b:s3+s4] =	stream.linear.scatter [tilespmem:s21], [sflag:$0x7], $0x2000, $0x38;
	[tilespmem:$0x11800] =	vst v63  }
0x83: {  	_ =	swait.ge @!p0 [sflag:s5], $0x2000  }
0x84: {  	[sflag:s5] =	ssyncset.done @!p0 $0x0  }
0x85: {  	s3 =	sadd.s32 @!p0 $0x6740, s7;
	s7 =	simm.s32 @!p0 $0xB800;
	[sflag:s5] =	ssyncadd.s32 @!p0 $0xFFFFE000  }
0x86: {  	[tilespmem:s7], [sflag:$0x2] =	stream.indirect.gather @!p0 [hbm4b:s1+s11], $0x80, s3, s11, $0xb8;
	[tilespmem:$0x11800] =	vst v63  }
0x87: {  	_ =	swait.ge [sflag:s26], $0x2000  }
0x88: {  	[sflag:s26] =	ssyncset.done $0x0  }
0x89: {  	s19 =	simm.s32 $0x5;
	[sflag:s26] =	ssyncadd.s32 $0xFFFFE000  }
0x8a: {  	[hbm4b:s0+s4] =	stream.linear.scatter [tilespmem:s23], [sflag:$0x8], $0x2000, $0x38;
	[tilespmem:$0x11800] =	vst v63  }
0x8b: {  	_ =	swait.ge [sflag:s19], $0x2000  }
0x8c: {  	[sflag:s19] =	ssyncset.done $0x0  }
0x8d: {  	s28 =	simm.s32 $0x6;
	[sflag:s19] =	ssyncadd.s32 $0xFFFFE000  }
0x8e: {  	_ =	swait.ge [sflag:s28], $0x2000  }
0x8f: {  	[sflag:s28] =	ssyncset.done $0x0  }
0x90: {  	s29 =	simm.s32 $0x7;
	[sflag:s28] =	ssyncadd.s32 $0xFFFFE000  }
0x91: {  	_ =	swait.ge [sflag:s29], $0x2000  }
0x92: {  	[sflag:s29] =	ssyncset.done $0x0  }
0x93: {  	[sflag:s29] =	ssyncadd.s32 $0xFFFFE000  }
0x94: {  	_ =	swait.ge [sflag:s31], $0x2000  }
0x95: {  	s2 =	sadd.s32 $0x1, s2;
	s30 =	rddreg [dreg:$0x8]  }
0x96: {  	p0 =	sne.s32 s2, s30  }
.Ltmp1:
0x97: {  	_ = 	snop;
	(pc) =	sbr.rel @p0 .LBB2_1-.Ltmp1, $3  }
0x98: {  	_ =	sdelay $0x1  }
0x99: {  	[sflag:s31] =	ssyncset.done $0x0  }
0x9a: {  	[sflag:s31] =	ssyncadd.s32 $0xFFFFE000  }
0x9b: {  	_ =	sfence.sel $0x180000  }
0x9c: {  	[bflag:$0x0] =	sbarrier.arrive $0xFFFF  }
0x9d: {  	_ =	strace $0x90000047  }
0x9e: {  	s0 =	stileid.u32;
	[bflag:$0x2] =	sbarrier.arrive $0xFFFF  }
0x9f: {  	p0 =	sne.s32 s0, $0x0;
	s0 =	rddreg [dreg:$0x4]  }
0xa0: {  	s0 =	sadd.s32 @!p0 $0x100000, s0  }
0xa1: {  	[sflag:s0] =	ssyncadd.tile.s32 @!p0 $0x1;
	_ =	shalt  }
.Lfunc_end2:
_tile_overlayer_lowered:
.L_overlay_start_2:
0xa2: {  	(tag) =	ssettag $0x2  }
0xa3: {  	s0 =	rddreg [dreg:$0x0];
	s2 =	stileid.u32  }
0xa4: {  	s1 =	rddreg [dreg:$0x1];
	p0 =	sne.s32 s2, $0x0  }
0xa5: {  	s3 =	rddreg [dreg:$0x2];
	[bflag:$0x3] =	sbarrier.arrive $0xFFFF;
	s2 =	simm.s32 @!p0 $0x1C09  }
0xa6: {  	[timem:s3], [sflag:s2] =	dma.local @!p0 [hbm:s0], s1  }
0xa7: {  	s0 =	simm.s32 @!p0 $0x9  }
0xa8: {  	_ =	swait.ge @!p0 [sflag:s0], s1  }
0xa9: {  	s1 =	ssub.s32 @!p0 $0x0, s1;
	[sflag:s0] =	ssyncset.done @!p0 $0x0  }
0xaa: {  	[sflag:s0] =	ssyncadd.s32 @!p0 s1  }
0xab: {  	[bflag:$0x3] =	sbarrier.arrive $0xFFFF  }
0xac: {  	_ =	shalt  }

</sc_bundles>
